<compile_context>
chip_gen: v7x
topology: tpu7x:2x2x1
jax: 0.10.2.dev20260603
libtpu: 0.0.44.dev20260713+nightly
codegen_flags: <defaults>
</compile_context>

<pallas_src>
import functools

import jax
import jax.numpy as jnp
from jax import lax
from jax.experimental import pallas as pl
from jax.experimental.pallas import tpu as pltpu
from jax.experimental.pallas import tpu_sc as plsc

ALPHA = 5.0
EPS = 1e-8

_NW = 32
_BPW = 4
_SC_ROWS = _NW * _BPW
_CW = 1024


def _tc_partial_kernel(labels_ref, x_ref, out_ref, *, n_cols, block_rows):
    x = x_ref[...]
    ss = jnp.sum(x * x, axis=1, keepdims=True)
    lcol = jax.lax.broadcasted_iota(jnp.int32, (block_rows, n_cols), 1)
    g = jnp.sum(jnp.where(lcol == labels_ref[...], x, 0.0), axis=1,
                keepdims=True)
    s = g / jnp.maximum(jnp.sqrt(ss), EPS)
    out_ref[0, 0, 0] = jnp.sum((1.0 - s) / (1.0 + s) * ALPHA)


def _sc_rows_kernel(x_hbm, lblbc_hbm, out_hbm, lbl_v, buf, obuf,
                    *, n_cols, row0):
    wid = lax.axis_index("s") * 2 + lax.axis_index("c")
    base = row0 + wid * _BPW

    pltpu.sync_copy(lblbc_hbm.at[pl.ds(base, _BPW)], lbl_v)
    lane = lax.iota(jnp.int32, 16)
    lblbc = [lbl_v[r, pl.ds(0, 16)] for r in range(_BPW)]

    n_full = n_cols // _CW
    tail = n_cols - n_full * _CW

    zero = jnp.zeros((16,), jnp.float32)
    zeros2 = tuple(zero for _ in range(2 * _BPW))

    def do_chunk(c0, width, carry):
        def kbody(k, carry):
            cols = lane + (c0 + k * 16)
            new = []
            for r in range(_BPW):
                v = buf[r, pl.ds(k * 16, 16)]
                new.append(carry[2 * r] + v * v)
                new.append(carry[2 * r + 1]
                           + jnp.where(cols == lblbc[r], v, 0.0))
            return tuple(new)

        return lax.fori_loop(0, width // 16, kbody, carry)

    def chunk_body(c, carry):
        c0 = c * _CW
        pltpu.sync_copy(x_hbm.at[pl.ds(base, _BPW), pl.ds(c0, _CW)], buf)
        return do_chunk(c0, _CW, carry)

    carry = lax.fori_loop(0, n_full, chunk_body, zeros2)

    if tail:
        c0 = n_full * _CW
        pltpu.sync_copy(x_hbm.at[pl.ds(base, _BPW), pl.ds(c0, tail)],
                        buf.at[:, pl.ds(0, tail)])
        carry = do_chunk(c0, tail, carry)

    for r in range(_BPW):
        obuf[r, pl.ds(0, 16)] = carry[2 * r]
        obuf[r, pl.ds(16, 16)] = carry[2 * r + 1]
    pltpu.sync_copy(obuf, out_hbm.at[pl.ds(wid * _BPW, _BPW)])


def _combine_kernel(tcp_ref, sc_ref, tail_ref, lbl_ref, out_ref,
                    *, n_rows, col0, tail_cols):
    sso = sc_ref[...]
    ss = jnp.sum(sso[:, 0:16], axis=1, keepdims=True)
    g = jnp.sum(sso[:, 16:32], axis=1, keepdims=True)
    t = tail_ref[...]
    ss = ss + jnp.sum(t * t, axis=1, keepdims=True)
    lcol = col0 + jax.lax.broadcasted_iota(
        jnp.int32, (_SC_ROWS, tail_cols), 1)
    g = g + jnp.sum(jnp.where(lcol == lbl_ref[...], t, 0.0), axis=1,
                    keepdims=True)
    s = g / jnp.maximum(jnp.sqrt(ss), EPS)
    sc_sum = jnp.sum((1.0 - s) / (1.0 + s) * ALPHA)
    out_ref[0, 0] = (jnp.sum(tcp_ref[...]) + sc_sum) / n_rows


def kernel(logits, labels):
    n_rows, n_cols = logits.shape
    labels_i = labels.astype(jnp.int32)
    n_tc = n_rows - _SC_ROWS
    block_rows = 32
    n_blocks = n_tc // block_rows
    labels2 = labels_i.reshape(n_rows, 1)
    lblbc2d = jnp.broadcast_to(labels_i[:, None], (n_rows, 16))

    n_cols_sc = (n_cols // 128) * 128

    sc_out = pl.kernel(
        functools.partial(_sc_rows_kernel, n_cols=n_cols_sc, row0=n_tc),
        out_type=jax.ShapeDtypeStruct((_SC_ROWS, 32), jnp.float32),
        mesh=plsc.VectorSubcoreMesh(core_axis_name="c", subcore_axis_name="s"),
        scratch_types=[
            pltpu.VMEM((_BPW, 16), jnp.int32),
            pltpu.VMEM((_BPW, _CW), jnp.float32),
            pltpu.VMEM((_BPW, 32), jnp.float32),
        ],
    )(logits, lblbc2d)

    tc_partials = pl.pallas_call(
        functools.partial(
            _tc_partial_kernel, n_cols=n_cols, block_rows=block_rows),
        grid=(n_blocks,),
        in_specs=[
            pl.BlockSpec((block_rows, 1), lambda rb: (rb, 0)),
            pl.BlockSpec((block_rows, n_cols), lambda rb: (rb, 0)),
        ],
        out_specs=pl.BlockSpec(
            (1, 1, 1), lambda rb: (rb, 0, 0), memory_space=pltpu.SMEM),
        out_shape=jax.ShapeDtypeStruct((n_blocks, 1, 1), jnp.float32),
    )(labels2, logits)

    tail_x = logits[n_tc:, n_cols_sc:]
    lbl_sc = labels2[n_tc:]
    out = pl.pallas_call(
        functools.partial(_combine_kernel, n_rows=n_rows, col0=n_cols_sc,
                          tail_cols=n_cols - n_cols_sc),
        out_specs=pl.BlockSpec(memory_space=pltpu.SMEM),
        out_shape=jax.ShapeDtypeStruct((1, 1), jnp.float32),
    )(tc_partials, sc_out, tail_x, lbl_sc)
    return out[0, 0]

# --- scband reference (transcript-rebuilt; emitter-appended) ---
"""Pipeline reference for scband-cosine-sim-15221364097847 (READ-ONLY COPY).

The authoritative reference and input builder live on the scoring server;
editing this copy changes nothing except your own understanding.
"""

import jax, jax.numpy as jnp
import numpy as np

ALPHA = 5.0
REDUCTION = 'mean'
EPS = 1e-8

def setup_inputs(seed: int = 0) -> dict:
    key = jax.random.key(seed)
    k1, k2 = jax.random.split(key)
    logits = jax.random.normal(k1, (1024, 100000), dtype=jnp.float32)
    labels = jax.random.randint(k2, (1024,), 0, 100000, dtype=jnp.int64)
    return {"logits": logits, "labels": labels}

def reference(logits, labels):
    vec_dim = logits.shape[-1]
    logits2 = logits.reshape(-1, vec_dim)
    labels2 = labels.reshape(-1)
    n = logits2.shape[0]
    # scatter_ : one-hot labels (scatter-overwrite, SparseCore-mappable)
    labels_one_hot = jnp.zeros_like(logits2).at[jnp.arange(n), labels2].set(1.0)
    # CosineSimilarity(dim=1) with torch's eps=1e-8 denominator clamp
    num = jnp.sum(logits2 * labels_one_hot, axis=1)
    denom = jnp.linalg.norm(logits2, axis=1) * jnp.linalg.norm(labels_one_hot, axis=1)
    sims = num / jnp.maximum(denom, EPS)
    loss_tensor = (1.0 - sims) / (1.0 + sims) * ALPHA
    if REDUCTION == 'mean':
        loss = jnp.mean(loss_tensor)
    elif REDUCTION == 'sum':
        loss = jnp.sum(loss_tensor)
    else:
        loss = loss_tensor
    return loss

if __name__ == "__main__":
    import jax
    _d = setup_inputs()
    print(jax.jit(kernel)(*tuple(_d.values())))

</pallas_src>

<mosaic_0001>
#map = affine_map<(d0, d1) -> (0, 0)>
module attributes {stable_mosaic.version = 14 : i64} {
  func.func @_sc_rows_kernel(%arg0: i32, %arg1: i32, %arg2: memref<1024x100000xf32, #tpu.memory_space<hbm>>, %arg3: memref<1024x16xi32, #tpu.memory_space<hbm>>, %arg4: memref<128x32xf32, #tpu.memory_space<hbm>>, %arg5: memref<4x16xi32, #tpu.memory_space<vmem>>, %arg6: memref<4x1024xf32, #tpu.memory_space<vmem>>, %arg7: memref<4x32xf32, #tpu.memory_space<vmem>>) attributes {dimension_semantics = [#tpu.dimension_semantics<core_parallel>, #tpu.dimension_semantics<subcore_parallel>], iteration_bounds = array<i64: 2, 16>, scalar_prefetch = 0 : i64, scratch_operands = 3 : i64, tpu.core_type = #tpu.core_type<sc_vector_subcore>, window_params = [{transform_indices = #map}, {transform_indices = #map}, {transform_indices = #map}]} {
    %mul3A = arith.constant 2 : i32
    %mul3A_0 = arith.muli %arg1, %mul3A : i32
    %add3A = arith.addi %mul3A_0, %arg0 : i32
    %mul3A_1 = arith.constant 4 : i32
    %mul3A_2 = arith.muli %add3A, %mul3A_1 : i32
    %add3A_3 = arith.constant 896 : i32
    %add3A_4 = arith.addi %add3A_3, %mul3A_2 : i32
    "tpu.region"() ({
      %run_scoped3A = tpu.sem_alloc : memref<!tpu.dma_semaphore, #tpu.memory_space<semaphore_mem>>
      %dma_start3A = arith.constant 0 : i32
      %dma_start3A_85 = tpu.memref_slice %arg3[%add3A_4, %dma_start3A] : memref<1024x16xi32, #tpu.memory_space<hbm>> -> memref<4x16xi32, #tpu.memory_space<hbm>>
      %dma_start3A_86 = arith.constant 0 : i32
      %dma_start3A_87 = tpu.memref_slice %arg3[%add3A_4, %dma_start3A_86] : memref<1024x16xi32, #tpu.memory_space<hbm>> -> memref<4x16xi32, #tpu.memory_space<hbm>>
      tpu.enqueue_dma source(%dma_start3A_87 : memref<4x16xi32, #tpu.memory_space<hbm>>) target(%arg5 : memref<4x16xi32, #tpu.memory_space<vmem>>) target_semaphore(%run_scoped3A : memref<!tpu.dma_semaphore, #tpu.memory_space<semaphore_mem>>)
      %dma_wait3A = arith.constant 0 : i32
      %dma_wait3A_88 = tpu.memref_slice %arg3[%add3A_4, %dma_wait3A] : memref<1024x16xi32, #tpu.memory_space<hbm>> -> memref<4x16xi32, #tpu.memory_space<hbm>>
      %dma_wait3A_89 = arith.constant 0 : i32
      %dma_wait3A_90 = tpu.memref_slice %arg3[%add3A_4, %dma_wait3A_89] : memref<1024x16xi32, #tpu.memory_space<hbm>> -> memref<4x16xi32, #tpu.memory_space<hbm>>
      tpu.wait_dma2 semaphore(%run_scoped3A : memref<!tpu.dma_semaphore, #tpu.memory_space<semaphore_mem>>) src(%dma_wait3A_90 : memref<4x16xi32, #tpu.memory_space<hbm>>) dst(%arg5 : memref<4x16xi32, #tpu.memory_space<vmem>>)
      tpu.yield
    }) : () -> ()
    %iota3A = tpu.iota {dimensions = array<i32: 0>} : vector<16xi32>
    %get3A = arith.constant 0 : i32
    %get3A_5 = arith.index_cast %get3A : i32 to index
    %get3A_6 = arith.constant 0 : index
    %get3A_7 = tpu.vector_load %arg5[%get3A_5, %get3A_6] {strides = array<i32>} : memref<4x16xi32, #tpu.memory_space<vmem>>, vector<1x16xi32>,
    %get3A_8 = vector.shape_cast %get3A_7 : vector<1x16xi32> to vector<16xi32>
    %get3A_9 = arith.constant 1 : i32
    %get3A_10 = arith.index_cast %get3A_9 : i32 to index
    %get3A_11 = arith.constant 0 : index
    %get3A_12 = tpu.vector_load %arg5[%get3A_10, %get3A_11] {strides = array<i32>} : memref<4x16xi32, #tpu.memory_space<vmem>>, vector<1x16xi32>,
    %get3A_13 = vector.shape_cast %get3A_12 : vector<1x16xi32> to vector<16xi32>
    %get3A_14 = arith.constant 2 : i32
    %get3A_15 = arith.index_cast %get3A_14 : i32 to index
    %get3A_16 = arith.constant 0 : index
    %get3A_17 = tpu.vector_load %arg5[%get3A_15, %get3A_16] {strides = array<i32>} : memref<4x16xi32, #tpu.memory_space<vmem>>, vector<1x16xi32>,
    %get3A_18 = vector.shape_cast %get3A_17 : vector<1x16xi32> to vector<16xi32>
    %get3A_19 = arith.constant 3 : i32
    %get3A_20 = arith.index_cast %get3A_19 : i32 to index
    %get3A_21 = arith.constant 0 : index
    %get3A_22 = tpu.vector_load %arg5[%get3A_20, %get3A_21] {strides = array<i32>} : memref<4x16xi32, #tpu.memory_space<vmem>>, vector<1x16xi32>,
    %get3A_23 = vector.shape_cast %get3A_22 : vector<1x16xi32> to vector<16xi32>
    %broadcast_in_dim3A = arith.constant 0.000000e+00 : f32
    %broadcast_in_dim3A_24 = vector.broadcast %broadcast_in_dim3A : f32 to vector<16xf32>
    %scan3A = arith.constant 0 : i32
    %scan3A_25 = arith.constant 97 : i32
    %scan3A_26 = arith.addi %scan3A, %scan3A_25 : i32
    %scan3A_27 = arith.constant 1 : i32
    %scan3A_28:8 = scf.for %scan3A_85 = %scan3A to %scan3A_26 step %scan3A_27 iter_args(%scan3A_86 = %broadcast_in_dim3A_24, %scan3A_87 = %broadcast_in_dim3A_24, %scan3A_88 = %broadcast_in_dim3A_24, %scan3A_89 = %broadcast_in_dim3A_24, %scan3A_90 = %broadcast_in_dim3A_24, %scan3A_91 = %broadcast_in_dim3A_24, %scan3A_92 = %broadcast_in_dim3A_24, %scan3A_93 = %broadcast_in_dim3A_24) -> (vector<16xf32>, vector<16xf32>, vector<16xf32>, vector<16xf32>, vector<16xf32>, vector<16xf32>, vector<16xf32>, vector<16xf32>)  : i32 {
      %mul3A_94 = arith.constant 1024 : i32
      %mul3A_95 = arith.muli %scan3A_85, %mul3A_94 : i32
      "tpu.region"() ({
        %run_scoped3A = tpu.sem_alloc : memref<!tpu.dma_semaphore, #tpu.memory_space<semaphore_mem>>
        %dma_start3A = tpu.memref_slice %arg2[%add3A_4, %mul3A_95] : memref<1024x100000xf32, #tpu.memory_space<hbm>> -> memref<4x1024xf32, #tpu.memory_space<hbm>>
        %dma_start3A_102 = tpu.memref_slice %arg2[%add3A_4, %mul3A_95] : memref<1024x100000xf32, #tpu.memory_space<hbm>> -> memref<4x1024xf32, #tpu.memory_space<hbm>>
        tpu.enqueue_dma source(%dma_start3A_102 : memref<4x1024xf32, #tpu.memory_space<hbm>>) target(%arg6 : memref<4x1024xf32, #tpu.memory_space<vmem>>) target_semaphore(%run_scoped3A : memref<!tpu.dma_semaphore, #tpu.memory_space<semaphore_mem>>)
        %dma_wait3A = tpu.memref_slice %arg2[%add3A_4, %mul3A_95] : memref<1024x100000xf32, #tpu.memory_space<hbm>> -> memref<4x1024xf32, #tpu.memory_space<hbm>>
        %dma_wait3A_103 = tpu.memref_slice %arg2[%add3A_4, %mul3A_95] : memref<1024x100000xf32, #tpu.memory_space<hbm>> -> memref<4x1024xf32, #tpu.memory_space<hbm>>
        tpu.wait_dma2 semaphore(%run_scoped3A : memref<!tpu.dma_semaphore, #tpu.memory_space<semaphore_mem>>) src(%dma_wait3A_103 : memref<4x1024xf32, #tpu.memory_space<hbm>>) dst(%arg6 : memref<4x1024xf32, #tpu.memory_space<vmem>>)
        tpu.yield
      }) : () -> ()
      %scan3A_96 = arith.constant 0 : i32
      %scan3A_97 = arith.constant 64 : i32
      %scan3A_98 = arith.addi %scan3A_96, %scan3A_97 : i32
      %scan3A_99 = arith.constant 1 : i32
      %scan3A_100:8 = scf.for %scan3A_102 = %scan3A_96 to %scan3A_98 step %scan3A_99 iter_args(%scan3A_103 = %scan3A_86, %scan3A_104 = %scan3A_87, %scan3A_105 = %scan3A_88, %scan3A_106 = %scan3A_89, %scan3A_107 = %scan3A_90, %scan3A_108 = %scan3A_91, %scan3A_109 = %scan3A_92, %scan3A_110 = %scan3A_93) -> (vector<16xf32>, vector<16xf32>, vector<16xf32>, vector<16xf32>, vector<16xf32>, vector<16xf32>, vector<16xf32>, vector<16xf32>)  : i32 {
        %mul3A_111 = arith.constant 16 : i32
        %mul3A_112 = arith.muli %scan3A_102, %mul3A_111 : i32
        %add3A_113 = arith.addi %mul3A_95, %mul3A_112 : i32
        %add3A_114 = vector.broadcast %add3A_113 : i32 to vector<16xi32>
        %add3A_115 = arith.addi %iota3A, %add3A_114 : vector<16xi32>
        %mul3A_116 = arith.constant 16 : i32
        %mul3A_117 = arith.muli %scan3A_102, %mul3A_116 : i32
        %get3A_118 = arith.constant 0 : i32
        %get3A_119 = arith.index_cast %get3A_118 : i32 to index
        %get3A_120 = arith.index_cast %mul3A_117 : i32 to index
        %get3A_121 = tpu.vector_load %arg6[%get3A_119, %get3A_120] {strides = array<i32>} : memref<4x1024xf32, #tpu.memory_space<vmem>>, vector<1x16xf32>,
        %get3A_122 = vector.shape_cast %get3A_121 : vector<1x16xf32> to vector<16xf32>
        %mul3A_123 = arith.mulf %get3A_122, %get3A_122 : vector<16xf32>
        %add3A_124 = arith.addf %scan3A_103, %mul3A_123 : vector<16xf32>
        %eq3A = arith.cmpi eq, %add3A_115, %get3A_8 : vector<16xi32>
        %jit3A = arith.constant 0.000000e+00 : f32
        %broadcast_in_dim3A_125 = vector.broadcast %jit3A : f32 to vector<16xf32>
        %select_n3A = arith.select %eq3A, %get3A_122, %broadcast_in_dim3A_125 : vector<16xi1>, vector<16xf32>
        %add3A_126 = arith.addf %scan3A_104, %select_n3A : vector<16xf32>
        %mul3A_127 = arith.constant 16 : i32
        %mul3A_128 = arith.muli %scan3A_102, %mul3A_127 : i32
        %get3A_129 = arith.constant 1 : i32
        %get3A_130 = arith.index_cast %get3A_129 : i32 to index
        %get3A_131 = arith.index_cast %mul3A_128 : i32 to index
        %get3A_132 = tpu.vector_load %arg6[%get3A_130, %get3A_131] {strides = array<i32>} : memref<4x1024xf32, #tpu.memory_space<vmem>>, vector<1x16xf32>,
        %get3A_133 = vector.shape_cast %get3A_132 : vector<1x16xf32> to vector<16xf32>
        %mul3A_134 = arith.mulf %get3A_133, %get3A_133 : vector<16xf32>
        %add3A_135 = arith.addf %scan3A_105, %mul3A_134 : vector<16xf32>
        %eq3A_136 = arith.cmpi eq, %add3A_115, %get3A_13 : vector<16xi32>
        %jit3A_137 = arith.constant 0.000000e+00 : f32
        %broadcast_in_dim3A_138 = vector.broadcast %jit3A_137 : f32 to vector<16xf32>
        %select_n3A_139 = arith.select %eq3A_136, %get3A_133, %broadcast_in_dim3A_138 : vector<16xi1>, vector<16xf32>
        %add3A_140 = arith.addf %scan3A_106, %select_n3A_139 : vector<16xf32>
        %mul3A_141 = arith.constant 16 : i32
        %mul3A_142 = arith.muli %scan3A_102, %mul3A_141 : i32
        %get3A_143 = arith.constant 2 : i32
        %get3A_144 = arith.index_cast %get3A_143 : i32 to index
        %get3A_145 = arith.index_cast %mul3A_142 : i32 to index
        %get3A_146 = tpu.vector_load %arg6[%get3A_144, %get3A_145] {strides = array<i32>} : memref<4x1024xf32, #tpu.memory_space<vmem>>, vector<1x16xf32>,
        %get3A_147 = vector.shape_cast %get3A_146 : vector<1x16xf32> to vector<16xf32>
        %mul3A_148 = arith.mulf %get3A_147, %get3A_147 : vector<16xf32>
        %add3A_149 = arith.addf %scan3A_107, %mul3A_148 : vector<16xf32>
        %eq3A_150 = arith.cmpi eq, %add3A_115, %get3A_18 : vector<16xi32>
        %jit3A_151 = arith.constant 0.000000e+00 : f32
        %broadcast_in_dim3A_152 = vector.broadcast %jit3A_151 : f32 to vector<16xf32>
        %select_n3A_153 = arith.select %eq3A_150, %get3A_147, %broadcast_in_dim3A_152 : vector<16xi1>, vector<16xf32>
        %add3A_154 = arith.addf %scan3A_108, %select_n3A_153 : vector<16xf32>
        %mul3A_155 = arith.constant 16 : i32
        %mul3A_156 = arith.muli %scan3A_102, %mul3A_155 : i32
        %get3A_157 = arith.constant 3 : i32
        %get3A_158 = arith.index_cast %get3A_157 : i32 to index
        %get3A_159 = arith.index_cast %mul3A_156 : i32 to index
        %get3A_160 = tpu.vector_load %arg6[%get3A_158, %get3A_159] {strides = array<i32>} : memref<4x1024xf32, #tpu.memory_space<vmem>>, vector<1x16xf32>,
        %get3A_161 = vector.shape_cast %get3A_160 : vector<1x16xf32> to vector<16xf32>
        %mul3A_162 = arith.mulf %get3A_161, %get3A_161 : vector<16xf32>
        %add3A_163 = arith.addf %scan3A_109, %mul3A_162 : vector<16xf32>
        %eq3A_164 = arith.cmpi eq, %add3A_115, %get3A_23 : vector<16xi32>
        %jit3A_165 = arith.constant 0.000000e+00 : f32
        %broadcast_in_dim3A_166 = vector.broadcast %jit3A_165 : f32 to vector<16xf32>
        %select_n3A_167 = arith.select %eq3A_164, %get3A_161, %broadcast_in_dim3A_166 : vector<16xi1>, vector<16xf32>
        %add3A_168 = arith.addf %scan3A_110, %select_n3A_167 : vector<16xf32>
        scf.yield %add3A_124, %add3A_126, %add3A_135, %add3A_140, %add3A_149, %add3A_154, %add3A_163, %add3A_168 : vector<16xf32>, vector<16xf32>, vector<16xf32>, vector<16xf32>, vector<16xf32>, vector<16xf32>, vector<16xf32>, vector<16xf32>
      }
      %scan3A_101 = arith.constant 64 : i32
      scf.yield %scan3A_100#0, %scan3A_100#1, %scan3A_100#2, %scan3A_100#3, %scan3A_100#4, %scan3A_100#5, %scan3A_100#6, %scan3A_100#7 : vector<16xf32>, vector<16xf32>, vector<16xf32>, vector<16xf32>, vector<16xf32>, vector<16xf32>, vector<16xf32>, vector<16xf32>
    }
    %scan3A_29 = arith.constant 97 : i32
    "tpu.region"() ({
      %run_scoped3A = tpu.sem_alloc : memref<!tpu.dma_semaphore, #tpu.memory_space<semaphore_mem>>
      %dma_start3A = arith.constant 0 : i32
      %dma_start3A_85 = arith.constant 0 : i32
      %dma_start3A_86 = tpu.memref_slice %arg6[%dma_start3A, %dma_start3A_85] : memref<4x1024xf32, #tpu.memory_space<vmem>> -> memref<4x640xf32, #tpu.memory_space<vmem>>
      %dma_start3A_87 = arith.constant 99328 : i32
      %dma_start3A_88 = tpu.memref_slice %arg2[%add3A_4, %dma_start3A_87] : memref<1024x100000xf32, #tpu.memory_space<hbm>> -> memref<4x640xf32, #tpu.memory_space<hbm>>
      %dma_start3A_89 = arith.constant 0 : i32
      %dma_start3A_90 = arith.constant 0 : i32
      %dma_start3A_91 = tpu.memref_slice %arg6[%dma_start3A_89, %dma_start3A_90] : memref<4x1024xf32, #tpu.memory_space<vmem>> -> memref<4x640xf32, #tpu.memory_space<vmem>>
      %dma_start3A_92 = arith.constant 99328 : i32
      %dma_start3A_93 = tpu.memref_slice %arg2[%add3A_4, %dma_start3A_92] : memref<1024x100000xf32, #tpu.memory_space<hbm>> -> memref<4x640xf32, #tpu.memory_space<hbm>>
      tpu.enqueue_dma source(%dma_start3A_93 : memref<4x640xf32, #tpu.memory_space<hbm>>) target(%dma_start3A_91 : memref<4x640xf32, #tpu.memory_space<vmem>>) target_semaphore(%run_scoped3A : memref<!tpu.dma_semaphore, #tpu.memory_space<semaphore_mem>>)
      %dma_wait3A = arith.constant 0 : i32
      %dma_wait3A_94 = arith.constant 0 : i32
      %dma_wait3A_95 = tpu.memref_slice %arg6[%dma_wait3A, %dma_wait3A_94] : memref<4x1024xf32, #tpu.memory_space<vmem>> -> memref<4x640xf32, #tpu.memory_space<vmem>>
      %dma_wait3A_96 = arith.constant 99328 : i32
      %dma_wait3A_97 = tpu.memref_slice %arg2[%add3A_4, %dma_wait3A_96] : memref<1024x100000xf32, #tpu.memory_space<hbm>> -> memref<4x640xf32, #tpu.memory_space<hbm>>
      %dma_wait3A_98 = arith.constant 0 : i32
      %dma_wait3A_99 = arith.constant 0 : i32
      %dma_wait3A_100 = tpu.memref_slice %arg6[%dma_wait3A_98, %dma_wait3A_99] : memref<4x1024xf32, #tpu.memory_space<vmem>> -> memref<4x640xf32, #tpu.memory_space<vmem>>
      %dma_wait3A_101 = arith.constant 99328 : i32
      %dma_wait3A_102 = tpu.memref_slice %arg2[%add3A_4, %dma_wait3A_101] : memref<1024x100000xf32, #tpu.memory_space<hbm>> -> memref<4x640xf32, #tpu.memory_space<hbm>>
      tpu.wait_dma2 semaphore(%run_scoped3A : memref<!tpu.dma_semaphore, #tpu.memory_space<semaphore_mem>>) src(%dma_wait3A_102 : memref<4x640xf32, #tpu.memory_space<hbm>>) dst(%dma_wait3A_100 : memref<4x640xf32, #tpu.memory_space<vmem>>)
      tpu.yield
    }) : () -> ()
    %scan3A_30 = arith.constant 0 : i32
    %scan3A_31 = arith.constant 40 : i32
    %scan3A_32 = arith.addi %scan3A_30, %scan3A_31 : i32
    %scan3A_33 = arith.constant 1 : i32
    %scan3A_34:8 = scf.for %scan3A_85 = %scan3A_30 to %scan3A_32 step %scan3A_33 iter_args(%scan3A_86 = %scan3A_28#0, %scan3A_87 = %scan3A_28#1, %scan3A_88 = %scan3A_28#2, %scan3A_89 = %scan3A_28#3, %scan3A_90 = %scan3A_28#4, %scan3A_91 = %scan3A_28#5, %scan3A_92 = %scan3A_28#6, %scan3A_93 = %scan3A_28#7) -> (vector<16xf32>, vector<16xf32>, vector<16xf32>, vector<16xf32>, vector<16xf32>, vector<16xf32>, vector<16xf32>, vector<16xf32>)  : i32 {
      %mul3A_94 = arith.constant 16 : i32
      %mul3A_95 = arith.muli %scan3A_85, %mul3A_94 : i32
      %add3A_96 = arith.constant 99328 : i32
      %add3A_97 = arith.addi %add3A_96, %mul3A_95 : i32
      %add3A_98 = vector.broadcast %add3A_97 : i32 to vector<16xi32>
      %add3A_99 = arith.addi %iota3A, %add3A_98 : vector<16xi32>
      %mul3A_100 = arith.constant 16 : i32
      %mul3A_101 = arith.muli %scan3A_85, %mul3A_100 : i32
      %get3A_102 = arith.constant 0 : i32
      %get3A_103 = arith.index_cast %get3A_102 : i32 to index
      %get3A_104 = arith.index_cast %mul3A_101 : i32 to index
      %get3A_105 = tpu.vector_load %arg6[%get3A_103, %get3A_104] {strides = array<i32>} : memref<4x1024xf32, #tpu.memory_space<vmem>>, vector<1x16xf32>,
      %get3A_106 = vector.shape_cast %get3A_105 : vector<1x16xf32> to vector<16xf32>
      %mul3A_107 = arith.mulf %get3A_106, %get3A_106 : vector<16xf32>
      %add3A_108 = arith.addf %scan3A_86, %mul3A_107 : vector<16xf32>
      %eq3A = arith.cmpi eq, %add3A_99, %get3A_8 : vector<16xi32>
      %jit3A = arith.constant 0.000000e+00 : f32
      %broadcast_in_dim3A_109 = vector.broadcast %jit3A : f32 to vector<16xf32>
      %select_n3A = arith.select %eq3A, %get3A_106, %broadcast_in_dim3A_109 : vector<16xi1>, vector<16xf32>
      %add3A_110 = arith.addf %scan3A_87, %select_n3A : vector<16xf32>
      %mul3A_111 = arith.constant 16 : i32
      %mul3A_112 = arith.muli %scan3A_85, %mul3A_111 : i32
      %get3A_113 = arith.constant 1 : i32
      %get3A_114 = arith.index_cast %get3A_113 : i32 to index
      %get3A_115 = arith.index_cast %mul3A_112 : i32 to index
      %get3A_116 = tpu.vector_load %arg6[%get3A_114, %get3A_115] {strides = array<i32>} : memref<4x1024xf32, #tpu.memory_space<vmem>>, vector<1x16xf32>,
      %get3A_117 = vector.shape_cast %get3A_116 : vector<1x16xf32> to vector<16xf32>
      %mul3A_118 = arith.mulf %get3A_117, %get3A_117 : vector<16xf32>
      %add3A_119 = arith.addf %scan3A_88, %mul3A_118 : vector<16xf32>
      %eq3A_120 = arith.cmpi eq, %add3A_99, %get3A_13 : vector<16xi32>
      %jit3A_121 = arith.constant 0.000000e+00 : f32
      %broadcast_in_dim3A_122 = vector.broadcast %jit3A_121 : f32 to vector<16xf32>
      %select_n3A_123 = arith.select %eq3A_120, %get3A_117, %broadcast_in_dim3A_122 : vector<16xi1>, vector<16xf32>
      %add3A_124 = arith.addf %scan3A_89, %select_n3A_123 : vector<16xf32>
      %mul3A_125 = arith.constant 16 : i32
      %mul3A_126 = arith.muli %scan3A_85, %mul3A_125 : i32
      %get3A_127 = arith.constant 2 : i32
      %get3A_128 = arith.index_cast %get3A_127 : i32 to index
      %get3A_129 = arith.index_cast %mul3A_126 : i32 to index
      %get3A_130 = tpu.vector_load %arg6[%get3A_128, %get3A_129] {strides = array<i32>} : memref<4x1024xf32, #tpu.memory_space<vmem>>, vector<1x16xf32>,
      %get3A_131 = vector.shape_cast %get3A_130 : vector<1x16xf32> to vector<16xf32>
      %mul3A_132 = arith.mulf %get3A_131, %get3A_131 : vector<16xf32>
      %add3A_133 = arith.addf %scan3A_90, %mul3A_132 : vector<16xf32>
      %eq3A_134 = arith.cmpi eq, %add3A_99, %get3A_18 : vector<16xi32>
      %jit3A_135 = arith.constant 0.000000e+00 : f32
      %broadcast_in_dim3A_136 = vector.broadcast %jit3A_135 : f32 to vector<16xf32>
      %select_n3A_137 = arith.select %eq3A_134, %get3A_131, %broadcast_in_dim3A_136 : vector<16xi1>, vector<16xf32>
      %add3A_138 = arith.addf %scan3A_91, %select_n3A_137 : vector<16xf32>
      %mul3A_139 = arith.constant 16 : i32
      %mul3A_140 = arith.muli %scan3A_85, %mul3A_139 : i32
      %get3A_141 = arith.constant 3 : i32
      %get3A_142 = arith.index_cast %get3A_141 : i32 to index
      %get3A_143 = arith.index_cast %mul3A_140 : i32 to index
      %get3A_144 = tpu.vector_load %arg6[%get3A_142, %get3A_143] {strides = array<i32>} : memref<4x1024xf32, #tpu.memory_space<vmem>>, vector<1x16xf32>,
      %get3A_145 = vector.shape_cast %get3A_144 : vector<1x16xf32> to vector<16xf32>
      %mul3A_146 = arith.mulf %get3A_145, %get3A_145 : vector<16xf32>
      %add3A_147 = arith.addf %scan3A_92, %mul3A_146 : vector<16xf32>
      %eq3A_148 = arith.cmpi eq, %add3A_99, %get3A_23 : vector<16xi32>
      %jit3A_149 = arith.constant 0.000000e+00 : f32
      %broadcast_in_dim3A_150 = vector.broadcast %jit3A_149 : f32 to vector<16xf32>
      %select_n3A_151 = arith.select %eq3A_148, %get3A_145, %broadcast_in_dim3A_150 : vector<16xi1>, vector<16xf32>
      %add3A_152 = arith.addf %scan3A_93, %select_n3A_151 : vector<16xf32>
      scf.yield %add3A_108, %add3A_110, %add3A_119, %add3A_124, %add3A_133, %add3A_138, %add3A_147, %add3A_152 : vector<16xf32>, vector<16xf32>, vector<16xf32>, vector<16xf32>, vector<16xf32>, vector<16xf32>, vector<16xf32>, vector<16xf32>
    }
    %scan3A_35 = arith.constant 40 : i32
    %swap3A = arith.constant 0 : i32
    %swap3A_36 = arith.index_cast %swap3A : i32 to index
    %swap3A_37 = arith.constant 0 : index
    %swap3A_38 = tpu.vector_load %arg7[%swap3A_36, %swap3A_37] {strides = array<i32>} : memref<4x32xf32, #tpu.memory_space<vmem>>, vector<1x16xf32>,
    %swap3A_39 = vector.shape_cast %swap3A_38 : vector<1x16xf32> to vector<16xf32>
    %swap3A_40 = vector.shape_cast %scan3A_34#0 : vector<16xf32> to vector<1x16xf32>
    tpu.vector_store %arg7[%swap3A_36, %swap3A_37], %swap3A_40 {strides = array<i32>} : memref<4x32xf32, #tpu.memory_space<vmem>>, vector<1x16xf32>,
    %swap3A_41 = arith.constant 0 : i32
    %swap3A_42 = arith.index_cast %swap3A_41 : i32 to index
    %swap3A_43 = arith.constant 16 : index
    %swap3A_44 = tpu.vector_load %arg7[%swap3A_42, %swap3A_43] {strides = array<i32>} : memref<4x32xf32, #tpu.memory_space<vmem>>, vector<1x16xf32>,
    %swap3A_45 = vector.shape_cast %swap3A_44 : vector<1x16xf32> to vector<16xf32>
    %swap3A_46 = vector.shape_cast %scan3A_34#1 : vector<16xf32> to vector<1x16xf32>
    tpu.vector_store %arg7[%swap3A_42, %swap3A_43], %swap3A_46 {strides = array<i32>} : memref<4x32xf32, #tpu.memory_space<vmem>>, vector<1x16xf32>,
    %swap3A_47 = arith.constant 1 : i32
    %swap3A_48 = arith.index_cast %swap3A_47 : i32 to index
    %swap3A_49 = arith.constant 0 : index
    %swap3A_50 = tpu.vector_load %arg7[%swap3A_48, %swap3A_49] {strides = array<i32>} : memref<4x32xf32, #tpu.memory_space<vmem>>, vector<1x16xf32>,
    %swap3A_51 = vector.shape_cast %swap3A_50 : vector<1x16xf32> to vector<16xf32>
    %swap3A_52 = vector.shape_cast %scan3A_34#2 : vector<16xf32> to vector<1x16xf32>
    tpu.vector_store %arg7[%swap3A_48, %swap3A_49], %swap3A_52 {strides = array<i32>} : memref<4x32xf32, #tpu.memory_space<vmem>>, vector<1x16xf32>,
    %swap3A_53 = arith.constant 1 : i32
    %swap3A_54 = arith.index_cast %swap3A_53 : i32 to index
    %swap3A_55 = arith.constant 16 : index
    %swap3A_56 = tpu.vector_load %arg7[%swap3A_54, %swap3A_55] {strides = array<i32>} : memref<4x32xf32, #tpu.memory_space<vmem>>, vector<1x16xf32>,
    %swap3A_57 = vector.shape_cast %swap3A_56 : vector<1x16xf32> to vector<16xf32>
    %swap3A_58 = vector.shape_cast %scan3A_34#3 : vector<16xf32> to vector<1x16xf32>
    tpu.vector_store %arg7[%swap3A_54, %swap3A_55], %swap3A_58 {strides = array<i32>} : memref<4x32xf32, #tpu.memory_space<vmem>>, vector<1x16xf32>,
    %swap3A_59 = arith.constant 2 : i32
    %swap3A_60 = arith.index_cast %swap3A_59 : i32 to index
    %swap3A_61 = arith.constant 0 : index
    %swap3A_62 = tpu.vector_load %arg7[%swap3A_60, %swap3A_61] {strides = array<i32>} : memref<4x32xf32, #tpu.memory_space<vmem>>, vector<1x16xf32>,
    %swap3A_63 = vector.shape_cast %swap3A_62 : vector<1x16xf32> to vector<16xf32>
    %swap3A_64 = vector.shape_cast %scan3A_34#4 : vector<16xf32> to vector<1x16xf32>
    tpu.vector_store %arg7[%swap3A_60, %swap3A_61], %swap3A_64 {strides = array<i32>} : memref<4x32xf32, #tpu.memory_space<vmem>>, vector<1x16xf32>,
    %swap3A_65 = arith.constant 2 : i32
    %swap3A_66 = arith.index_cast %swap3A_65 : i32 to index
    %swap3A_67 = arith.constant 16 : index
    %swap3A_68 = tpu.vector_load %arg7[%swap3A_66, %swap3A_67] {strides = array<i32>} : memref<4x32xf32, #tpu.memory_space<vmem>>, vector<1x16xf32>,
    %swap3A_69 = vector.shape_cast %swap3A_68 : vector<1x16xf32> to vector<16xf32>
    %swap3A_70 = vector.shape_cast %scan3A_34#5 : vector<16xf32> to vector<1x16xf32>
    tpu.vector_store %arg7[%swap3A_66, %swap3A_67], %swap3A_70 {strides = array<i32>} : memref<4x32xf32, #tpu.memory_space<vmem>>, vector<1x16xf32>,
    %swap3A_71 = arith.constant 3 : i32
    %swap3A_72 = arith.index_cast %swap3A_71 : i32 to index
    %swap3A_73 = arith.constant 0 : index
    %swap3A_74 = tpu.vector_load %arg7[%swap3A_72, %swap3A_73] {strides = array<i32>} : memref<4x32xf32, #tpu.memory_space<vmem>>, vector<1x16xf32>,
    %swap3A_75 = vector.shape_cast %swap3A_74 : vector<1x16xf32> to vector<16xf32>
    %swap3A_76 = vector.shape_cast %scan3A_34#6 : vector<16xf32> to vector<1x16xf32>
    tpu.vector_store %arg7[%swap3A_72, %swap3A_73], %swap3A_76 {strides = array<i32>} : memref<4x32xf32, #tpu.memory_space<vmem>>, vector<1x16xf32>,
    %swap3A_77 = arith.constant 3 : i32
    %swap3A_78 = arith.index_cast %swap3A_77 : i32 to index
    %swap3A_79 = arith.constant 16 : index
    %swap3A_80 = tpu.vector_load %arg7[%swap3A_78, %swap3A_79] {strides = array<i32>} : memref<4x32xf32, #tpu.memory_space<vmem>>, vector<1x16xf32>,
    %swap3A_81 = vector.shape_cast %swap3A_80 : vector<1x16xf32> to vector<16xf32>
    %swap3A_82 = vector.shape_cast %scan3A_34#7 : vector<16xf32> to vector<1x16xf32>
    tpu.vector_store %arg7[%swap3A_78, %swap3A_79], %swap3A_82 {strides = array<i32>} : memref<4x32xf32, #tpu.memory_space<vmem>>, vector<1x16xf32>,
    %mul3A_83 = arith.constant 4 : i32
    %mul3A_84 = arith.muli %add3A, %mul3A_83 : i32
    "tpu.region"() ({
      %run_scoped3A = tpu.sem_alloc : memref<!tpu.dma_semaphore, #tpu.memory_space<semaphore_mem>>
      %dma_start3A = arith.constant 0 : i32
      %dma_start3A_85 = tpu.memref_slice %arg4[%mul3A_84, %dma_start3A] : memref<128x32xf32, #tpu.memory_space<hbm>> -> memref<4x32xf32, #tpu.memory_space<hbm>>
      %dma_start3A_86 = arith.constant 0 : i32
      %dma_start3A_87 = tpu.memref_slice %arg4[%mul3A_84, %dma_start3A_86] : memref<128x32xf32, #tpu.memory_space<hbm>> -> memref<4x32xf32, #tpu.memory_space<hbm>>
      tpu.enqueue_dma source(%arg7 : memref<4x32xf32, #tpu.memory_space<vmem>>) target(%dma_start3A_87 : memref<4x32xf32, #tpu.memory_space<hbm>>) target_semaphore(%run_scoped3A : memref<!tpu.dma_semaphore, #tpu.memory_space<semaphore_mem>>)
      %dma_wait3A = arith.constant 0 : i32
      %dma_wait3A_88 = tpu.memref_slice %arg4[%mul3A_84, %dma_wait3A] : memref<128x32xf32, #tpu.memory_space<hbm>> -> memref<4x32xf32, #tpu.memory_space<hbm>>
      %dma_wait3A_89 = arith.constant 0 : i32
      %dma_wait3A_90 = tpu.memref_slice %arg4[%mul3A_84, %dma_wait3A_89] : memref<128x32xf32, #tpu.memory_space<hbm>> -> memref<4x32xf32, #tpu.memory_space<hbm>>
      tpu.wait_dma2 semaphore(%run_scoped3A : memref<!tpu.dma_semaphore, #tpu.memory_space<semaphore_mem>>) src(%arg7 : memref<4x32xf32, #tpu.memory_space<vmem>>) dst(%dma_wait3A_90 : memref<4x32xf32, #tpu.memory_space<hbm>>)
      tpu.yield
    }) : () -> ()
    return
  }
}

module attributes {stable_mosaic.version = 14 : i64} {
  func.func @_tc_partial_kernel(%arg0: i32, %arg1: memref<32x1xi32, #tpu.memory_space<vmem>>, %arg2: memref<32x100000xf32, #tpu.memory_space<vmem>>, %arg3: memref<1x1x1xf32, #tpu.memory_space<smem>>) attributes {dimension_semantics = [#tpu.dimension_semantics<arbitrary>], iteration_bounds = array<i64: 28>, scalar_prefetch = 0 : i64, scratch_operands = 0 : i64, tpu.core_type = #tpu.core_type<tc>, window_params = [{transform_indices = @transform_0, window_bounds = array<i64: 32, 1>}, {transform_indices = @transform_1, window_bounds = array<i64: 32, 100000>}, {transform_indices = @transform_2, window_bounds = array<i64: 1, 1, 1>}]} {
    %get3A = arith.constant 0 : index
    %get3A_0 = arith.constant 0 : index
    %get3A_1 = vector.load %arg2[%get3A, %get3A_0] : memref<32x100000xf32, #tpu.memory_space<vmem>>, vector<32x100000xf32>
    %mul3A = arith.mulf %get3A_1, %get3A_1 : vector<32x100000xf32>
    %reduce_sum3A = arith.constant dense<0.000000e+00> : vector<32xf32>
    %reduce_sum3A_2 = vector.multi_reduction <add>, %mul3A, %reduce_sum3A [1] : vector<32x100000xf32> to vector<32xf32>
    %broadcast_in_dim3A = vector.shape_cast %reduce_sum3A_2 : vector<32xf32> to vector<32x1xf32>
    %iota3A = tpu.iota {dimensions = array<i32: 1>} : vector<32x100000xi32>
    %get3A_3 = arith.constant 0 : index
    %get3A_4 = arith.constant 0 : index
    %get3A_5 = vector.load %arg1[%get3A_3, %get3A_4] : memref<32x1xi32, #tpu.memory_space<vmem>>, vector<32x1xi32>
    %eq3A = vector.broadcast %get3A_5 : vector<32x1xi32> to vector<32x100000xi32>
    %eq3A_6 = arith.cmpi eq, %iota3A, %eq3A : vector<32x100000xi32>
    %jit3A = arith.constant 0.000000e+00 : f32
    %broadcast_in_dim3A_7 = vector.broadcast %jit3A : f32 to vector<32x100000xf32>
    %select_n3A = arith.select %eq3A_6, %get3A_1, %broadcast_in_dim3A_7 : vector<32x100000xi1>, vector<32x100000xf32>
    %reduce_sum3A_8 = arith.constant dense<0.000000e+00> : vector<32xf32>
    %reduce_sum3A_9 = vector.multi_reduction <add>, %select_n3A, %reduce_sum3A_8 [1] : vector<32x100000xf32> to vector<32xf32>
    %broadcast_in_dim3A_10 = vector.shape_cast %reduce_sum3A_9 : vector<32xf32> to vector<32x1xf32>
    %sqrt3A = math.sqrt %broadcast_in_dim3A : vector<32x1xf32>
    %max3A = arith.constant 9.99999993E-9 : f32
    %max3A_11 = vector.broadcast %max3A : f32 to vector<32x1xf32>
    %max3A_12 = arith.maximumf %sqrt3A, %max3A_11 : vector<32x1xf32>
    %div3A = arith.divf %broadcast_in_dim3A_10, %max3A_12 : vector<32x1xf32>
    %sub3A = arith.constant 1.000000e+00 : f32
    %sub3A_13 = vector.broadcast %sub3A : f32 to vector<32x1xf32>
    %sub3A_14 = arith.subf %sub3A_13, %div3A : vector<32x1xf32>
    %add3A = arith.constant 1.000000e+00 : f32
    %add3A_15 = vector.broadcast %add3A : f32 to vector<32x1xf32>
    %add3A_16 = arith.addf %add3A_15, %div3A : vector<32x1xf32>
    %div3A_17 = arith.divf %sub3A_14, %add3A_16 : vector<32x1xf32>
    %mul3A_18 = arith.constant 5.000000e+00 : f32
    %mul3A_19 = vector.broadcast %mul3A_18 : f32 to vector<32x1xf32>
    %mul3A_20 = arith.mulf %div3A_17, %mul3A_19 : vector<32x1xf32>
    %reduce_sum3A_21 = vector.shape_cast %mul3A_20 : vector<32x1xf32> to vector<1x32x1xf32>
    %reduce_sum3A_22 = arith.constant dense<0.000000e+00> : vector<1xf32>
    %reduce_sum3A_23 = vector.multi_reduction <add>, %reduce_sum3A_21, %reduce_sum3A_22 [1, 2] : vector<1x32x1xf32> to vector<1xf32>
    %reduce_sum3A_24 = vector.shape_cast %reduce_sum3A_23 : vector<1xf32> to vector<1x1x1xf32>
    %reduce_sum3A_25 = vector.extract %reduce_sum3A_24[0, 0, 0] : f32 from vector<1x1x1xf32>
    %swap3A = arith.constant 0 : index
    %swap3A_26 = arith.constant 0 : index
    %swap3A_27 = arith.constant 0 : index
    %swap3A_28 = memref.load %arg3[%swap3A, %swap3A_26, %swap3A_27] : memref<1x1x1xf32, #tpu.memory_space<smem>>
    memref.store %reduce_sum3A_25, %arg3[%swap3A, %swap3A_26, %swap3A_27] : memref<1x1x1xf32, #tpu.memory_space<smem>>
    return
  }
  func.func @transform_0(%arg0: i32) -> (i32, i32) {
    %c0_i32 = arith.constant 0 : i32
    %c0_i32_0 = arith.constant 0 : i32
    return %arg0, %c0_i32 : i32, i32
  }
  func.func @transform_1(%arg0: i32) -> (i32, i32) {
    %c0_i32 = arith.constant 0 : i32
    %c0_i32_0 = arith.constant 0 : i32
    return %arg0, %c0_i32 : i32, i32
  }
  func.func @transform_2(%arg0: i32) -> (i32, i32, i32) {
    %c0_i32 = arith.constant 0 : i32
    %c0_i32_0 = arith.constant 0 : i32
    %c0_i32_1 = arith.constant 0 : i32
    return %arg0, %c0_i32, %c0_i32_0 : i32, i32, i32
  }
}

module attributes {stable_mosaic.version = 14 : i64} {
  func.func @_combine_kernel(%arg0: memref<28x1x1xf32, #tpu.memory_space<vmem>>, %arg1: memref<128x32xf32, #tpu.memory_space<vmem>>, %arg2: memref<128x32xf32, #tpu.memory_space<vmem>>, %arg3: memref<128x1xi32, #tpu.memory_space<vmem>>, %arg4: memref<1x1xf32, #tpu.memory_space<smem>>) attributes {dimension_semantics = [], scalar_prefetch = 0 : i64, scratch_operands = 0 : i64, tpu.core_type = #tpu.core_type<tc>} {
    %get3A = arith.constant 0 : index
    %get3A_0 = arith.constant 0 : index
    %get3A_1 = vector.load %arg1[%get3A, %get3A_0] : memref<128x32xf32, #tpu.memory_space<vmem>>, vector<128x32xf32>
    %slice3A = vector.extract_strided_slice %get3A_1 {offsets = [0, 0], sizes = [128, 16], strides = [1, 1]} : vector<128x32xf32> to vector<128x16xf32>
    %reduce_sum3A = arith.constant dense<0.000000e+00> : vector<128xf32>
    %reduce_sum3A_2 = vector.multi_reduction <add>, %slice3A, %reduce_sum3A [1] : vector<128x16xf32> to vector<128xf32>
    %broadcast_in_dim3A = vector.shape_cast %reduce_sum3A_2 : vector<128xf32> to vector<128x1xf32>
    %slice3A_3 = vector.extract_strided_slice %get3A_1 {offsets = [0, 16], sizes = [128, 16], strides = [1, 1]} : vector<128x32xf32> to vector<128x16xf32>
    %reduce_sum3A_4 = arith.constant dense<0.000000e+00> : vector<128xf32>
    %reduce_sum3A_5 = vector.multi_reduction <add>, %slice3A_3, %reduce_sum3A_4 [1] : vector<128x16xf32> to vector<128xf32>
    %broadcast_in_dim3A_6 = vector.shape_cast %reduce_sum3A_5 : vector<128xf32> to vector<128x1xf32>
    %get3A_7 = arith.constant 0 : index
    %get3A_8 = arith.constant 0 : index
    %get3A_9 = vector.load %arg2[%get3A_7, %get3A_8] : memref<128x32xf32, #tpu.memory_space<vmem>>, vector<128x32xf32>
    %mul3A = arith.mulf %get3A_9, %get3A_9 : vector<128x32xf32>
    %reduce_sum3A_10 = arith.constant dense<0.000000e+00> : vector<128xf32>
    %reduce_sum3A_11 = vector.multi_reduction <add>, %mul3A, %reduce_sum3A_10 [1] : vector<128x32xf32> to vector<128xf32>
    %broadcast_in_dim3A_12 = vector.shape_cast %reduce_sum3A_11 : vector<128xf32> to vector<128x1xf32>
    %add3A = arith.addf %broadcast_in_dim3A, %broadcast_in_dim3A_12 : vector<128x1xf32>
    %iota3A = tpu.iota {dimensions = array<i32: 1>} : vector<128x32xi32>
    %add3A_13 = arith.constant 99968 : i32
    %add3A_14 = vector.broadcast %add3A_13 : i32 to vector<128x32xi32>
    %add3A_15 = arith.addi %add3A_14, %iota3A : vector<128x32xi32>
    %get3A_16 = arith.constant 0 : index
    %get3A_17 = arith.constant 0 : index
    %get3A_18 = vector.load %arg3[%get3A_16, %get3A_17] : memref<128x1xi32, #tpu.memory_space<vmem>>, vector<128x1xi32>
    %eq3A = vector.broadcast %get3A_18 : vector<128x1xi32> to vector<128x32xi32>
    %eq3A_19 = arith.cmpi eq, %add3A_15, %eq3A : vector<128x32xi32>
    %jit3A = arith.constant 0.000000e+00 : f32
    %broadcast_in_dim3A_20 = vector.broadcast %jit3A : f32 to vector<128x32xf32>
    %select_n3A = arith.select %eq3A_19, %get3A_9, %broadcast_in_dim3A_20 : vector<128x32xi1>, vector<128x32xf32>
    %reduce_sum3A_21 = arith.constant dense<0.000000e+00> : vector<128xf32>
    %reduce_sum3A_22 = vector.multi_reduction <add>, %select_n3A, %reduce_sum3A_21 [1] : vector<128x32xf32> to vector<128xf32>
    %broadcast_in_dim3A_23 = vector.shape_cast %reduce_sum3A_22 : vector<128xf32> to vector<128x1xf32>
    %add3A_24 = arith.addf %broadcast_in_dim3A_6, %broadcast_in_dim3A_23 : vector<128x1xf32>
    %sqrt3A = math.sqrt %add3A : vector<128x1xf32>
    %max3A = arith.constant 9.99999993E-9 : f32
    %max3A_25 = vector.broadcast %max3A : f32 to vector<128x1xf32>
    %max3A_26 = arith.maximumf %sqrt3A, %max3A_25 : vector<128x1xf32>
    %div3A = arith.divf %add3A_24, %max3A_26 : vector<128x1xf32>
    %sub3A = arith.constant 1.000000e+00 : f32
    %sub3A_27 = vector.broadcast %sub3A : f32 to vector<128x1xf32>
    %sub3A_28 = arith.subf %sub3A_27, %div3A : vector<128x1xf32>
    %add3A_29 = arith.constant 1.000000e+00 : f32
    %add3A_30 = vector.broadcast %add3A_29 : f32 to vector<128x1xf32>
    %add3A_31 = arith.addf %add3A_30, %div3A : vector<128x1xf32>
    %div3A_32 = arith.divf %sub3A_28, %add3A_31 : vector<128x1xf32>
    %mul3A_33 = arith.constant 5.000000e+00 : f32
    %mul3A_34 = vector.broadcast %mul3A_33 : f32 to vector<128x1xf32>
    %mul3A_35 = arith.mulf %div3A_32, %mul3A_34 : vector<128x1xf32>
    %reduce_sum3A_36 = vector.shape_cast %mul3A_35 : vector<128x1xf32> to vector<1x128x1xf32>
    %reduce_sum3A_37 = arith.constant dense<0.000000e+00> : vector<1xf32>
    %reduce_sum3A_38 = vector.multi_reduction <add>, %reduce_sum3A_36, %reduce_sum3A_37 [1, 2] : vector<1x128x1xf32> to vector<1xf32>
    %reduce_sum3A_39 = vector.shape_cast %reduce_sum3A_38 : vector<1xf32> to vector<1x1x1xf32>
    %reduce_sum3A_40 = vector.extract %reduce_sum3A_39[0, 0, 0] : f32 from vector<1x1x1xf32>
    %get3A_41 = arith.constant 0 : index
    %get3A_42 = arith.constant 0 : index
    %get3A_43 = arith.constant 0 : index
    %get3A_44 = vector.load %arg0[%get3A_41, %get3A_42, %get3A_43] : memref<28x1x1xf32, #tpu.memory_space<vmem>>, vector<28x1x1xf32>
    %reduce_sum3A_45 = vector.shape_cast %get3A_44 : vector<28x1x1xf32> to vector<1x28x1x1xf32>
    %reduce_sum3A_46 = arith.constant dense<0.000000e+00> : vector<1xf32>
    %reduce_sum3A_47 = vector.multi_reduction <add>, %reduce_sum3A_45, %reduce_sum3A_46 [1, 2, 3] : vector<1x28x1x1xf32> to vector<1xf32>
    %reduce_sum3A_48 = vector.shape_cast %reduce_sum3A_47 : vector<1xf32> to vector<1x1x1x1xf32>
    %reduce_sum3A_49 = vector.extract %reduce_sum3A_48[0, 0, 0, 0] : f32 from vector<1x1x1x1xf32>
    %add3A_50 = arith.addf %reduce_sum3A_49, %reduce_sum3A_40 : f32
    %div3A_51 = arith.constant 1.024000e+03 : f32
    %div3A_52 = arith.divf %add3A_50, %div3A_51 : f32
    %swap3A = arith.constant 0 : index
    %swap3A_53 = arith.constant 0 : index
    %swap3A_54 = memref.load %arg4[%swap3A, %swap3A_53] : memref<1x1xf32, #tpu.memory_space<smem>>
    memref.store %div3A_52, %arg4[%swap3A, %swap3A_53] : memref<1x1xf32, #tpu.memory_space<smem>>
    return
  }
}

</mosaic_0001>

<sc_bundles>
// kernel: kernel.5.cloned.1.call-start
scs
__scs_entry_jumppad:
0x0: {  	(pc) =	sbr.rel $0x88, $3  }
0x1: {  	(tag) =	ssettag $0x0;
	lr =	simm.s32 $0x1  }
0x2: {  	[smem:$0x3F9F] =	sst lr;
	_ =	strace $0xD0000000  }
0x3: {  	_ = 	snop  }
0x4: {  	_ = 	snop  }
0x5: {  	_ = 	snop  }
0x6: {  	_ = 	snop  }
0x7: {  	_ = 	snop  }
__scs_overlays_trampoline_lowered:
0x8: {  	[smem:$0x3FAE] =	sst s0  }
0x9: {  	[smem:$0x3FAF] =	sst s1  }
0xa: {  	[smem:$0x3FB0] =	sst s2  }
0xb: {  	[smem:$0x3FB1] =	sst s3  }
0xc: {  	[smem:$0x3FB2] =	sst s4  }
0xd: {  	[smem:$0x3FB3] =	sst s5  }
0xe: {  	[smem:$0x3FB4] =	sst s6  }
0xf: {  	[smem:$0x3FB5] =	sst s7  }
0x10: {  	[smem:$0x3FB6] =	sst s8  }
0x11: {  	[smem:$0x3FB7] =	sst s9;
	s0 =	simm.s32 @!p0 $0x0  }
0x12: {  	s1 =	sld [smem:$0x3F9D];
	s0 =	simm.s32 @p0 $0x1  }
0x13: {  	[smem:$0x3FB8] =	sst s0;
	s0 =	simm.s32 @!p1 $0x0  }
0x14: {  	s2 =	sld [smem:$0x3F9C];
	s0 =	simm.s32 @p1 $0x1  }
0x15: {  	[smem:$0x3FB9] =	sst s0;
	s0 =	simm.s32 @!p2 $0x0  }
0x16: {  	s3 =	sld [smem:$0x3FDB];
	s0 =	simm.s32 @p2 $0x1  }
0x17: {  	s4 =	simm.s32 $0x1BF5;
	[smem:$0x3FBB] =	sst s0  }
0x18: {  	s0 =	sld [smem:$0x3F9E];
	_ =	swait.ge [sflag:s4], $0x0  }
0x19: {  	s7 =	sld [smem:$0x3F9F]  }
0x1a: {  	s8 =	sadd.s32 $0xFFFFE003, lr  }
0x1b: {  	s9 =	sadd.s32 $0xFFFFFEF7, lr;
	s5 =	simm.s32 $0xFFFFFFFF;
	p2 =	slt.u32 s8, $0xFFFFF086  }
0x1c: {  	p1 =	slt.u32 s9, $0xF7A;
	s5 =	simm.s32 @!p2 $0x0  }
0x1d: {  	s5 =	simm.s32 @p1 $0x1;
	p0 =	seq.s32 s7, s2  }
0x1e: {  	s7 =	smul.u32 @!p0 $0xF7A, s2;
	p2 =	seq.s32 @!p0 s5, $0x0  }
0x1f: {  	s9 =	smul.u32 $0xF7A, s1;
	s8 =	simm.s32 @!p0 $0x1BF5;
	p2 =	por !p2, p0  }
0x20: {  	[sflag:s8] =	ssyncset.s32 @!p0 $0xFFFFF086;
	s6 =	sadd.s32 @!p0 s3, s7;
	s7 =	simm.s32 @!p0 $0x108  }
0x21: {  	s3 =	sadd.s32 s3, s9;
	s6 =	sadd.s32 @!p0 $0x88, s6;
	s7 =	simm.s32 @p2 $0x1082  }
0x22: {  	[simem:s7], [sflag:s8] =	dma.local @!p0 [hbm:s6], $0xF7A  }
0x23: {  	s9 =	sor.u32 $0xD0000000, s2;
	s6 =	simm.s32 $0x108;
	_ =	swait.ge @!p0 [sflag:s8], $0x0  }
0x24: {  	s3 =	sadd.s32 $0x88, s3;
	s6 =	simm.s32 @!p1 $0x1082;
	[sflag:s4] =	ssyncset.s32 $0xFFFFF086  }
0x25: {  	[simem:s6], [sflag:s4] =	dma.local [hbm:s3], $0xF7A  }
0x26: {  	[smem:$0x3F9F] =	sst s1;
	(tag) =	ssettag s2;
	_ =	strace s9  }
0x27: {  	s1 =	sld [smem:$0x3FAF]  }
0x28: {  	s2 =	sld [smem:$0x3FB0]  }
0x29: {  	s4 =	sld [smem:$0x3FB2]  }
0x2a: {  	p0 =	seq.s32 s5, $0x0;
	s5 =	sld [smem:$0x3FB3]  }
0x2b: {  	s6 =	sld [smem:$0x3FB4]  }
0x2c: {  	s7 =	sld [smem:$0x3FB5]  }
0x2d: {  	s3 =	simm.s32 $0x108;
	s8 =	sld [smem:$0x3FB6]  }
0x2e: {  	s3 =	simm.s32 @!p0 $0x1082;
	s9 =	sld [smem:$0x3FB7]  }
0x2f: {  	lr =	sadd.s32 s0, s3;
	s0 =	sld [smem:$0x3FAE]  }
0x30: {  	s3 =	sld [smem:$0x3FB1]  }
0x31: {  	[smem:$0x3FBA] =	sst s10  }
0x32: {  	s10 =	sld [smem:$0x3FB8];
	_ =	sdelay $0x3  }
0x33: {  	p0 =	seq.s32 s10, $0x1;
	s10 =	sld [smem:$0x3FBA];
	_ =	sdelay $0x3  }
0x34: {  	[smem:$0x3FBA] =	sst s10  }
0x35: {  	s10 =	sld [smem:$0x3FB9];
	_ =	sdelay $0x3  }
0x36: {  	p1 =	seq.s32 s10, $0x1;
	s10 =	sld [smem:$0x3FBA];
	_ =	sdelay $0x3  }
0x37: {  	[smem:$0x3FBA] =	sst s10  }
0x38: {  	s10 =	sld [smem:$0x3FBB]  }
0x39: {  	_ = 	snop;
	(pc) =	sbr.ind lr, $3  }
0x3a: {  	_ = 	snop  }
0x3b: {  	_ = 	snop  }
0x3c: {  	p2 =	seq.s32 s10, $0x1;
	s10 =	sld [smem:$0x3FBA]  }
0x3d: {  	_ =	shalt  }
0x3e: {  	_ =	shalt  }
0x3f: {  	_ =	shalt  }
0x40: {  	_ =	shalt  }
0x41: {  	_ =	shalt  }
0x42: {  	_ =	shalt  }
0x43: {  	_ =	shalt  }
0x44: {  	_ =	shalt  }
0x45: {  	_ =	shalt  }
0x46: {  	_ =	shalt  }
0x47: {  	_ =	shalt  }
0x48: {  	_ =	shalt  }
0x49: {  	_ =	shalt  }
0x4a: {  	_ =	shalt  }
0x4b: {  	_ =	shalt  }
0x4c: {  	_ =	shalt  }
0x4d: {  	_ =	shalt  }
0x4e: {  	_ =	shalt  }
0x4f: {  	_ =	shalt  }
0x50: {  	_ =	shalt  }
0x51: {  	_ =	shalt  }
0x52: {  	_ =	shalt  }
0x53: {  	_ =	shalt  }
0x54: {  	_ =	shalt  }
0x55: {  	_ =	shalt  }
0x56: {  	_ =	shalt  }
0x57: {  	_ =	shalt  }
0x58: {  	_ =	shalt  }
0x59: {  	_ =	shalt  }
0x5a: {  	_ =	shalt  }
0x5b: {  	_ =	shalt  }
0x5c: {  	_ =	shalt  }
0x5d: {  	_ =	shalt  }
0x5e: {  	_ =	shalt  }
0x5f: {  	_ =	shalt  }
0x60: {  	_ =	shalt  }
0x61: {  	_ =	shalt  }
0x62: {  	_ =	shalt  }
0x63: {  	_ =	shalt  }
0x64: {  	_ =	shalt  }
0x65: {  	_ =	shalt  }
0x66: {  	_ =	shalt  }
0x67: {  	_ =	shalt  }
0x68: {  	_ =	shalt  }
0x69: {  	_ =	shalt  }
0x6a: {  	_ =	shalt  }
0x6b: {  	_ =	shalt  }
0x6c: {  	_ =	shalt  }
0x6d: {  	_ =	shalt  }
0x6e: {  	_ =	shalt  }
0x6f: {  	_ =	shalt  }
0x70: {  	_ =	shalt  }
0x71: {  	_ =	shalt  }
0x72: {  	_ =	shalt  }
0x73: {  	_ =	shalt  }
0x74: {  	_ =	shalt  }
0x75: {  	_ =	shalt  }
0x76: {  	_ =	shalt  }
0x77: {  	_ =	shalt  }
0x78: {  	_ =	shalt  }
0x79: {  	_ =	shalt  }
0x7a: {  	_ =	shalt  }
0x7b: {  	_ =	shalt  }
0x7c: {  	_ =	shalt  }
0x7d: {  	_ =	shalt  }
0x7e: {  	_ =	shalt  }
0x7f: {  	_ =	shalt  }
0x80: {  	_ =	shalt  }
0x81: {  	_ =	shalt  }
0x82: {  	_ =	shalt  }
0x83: {  	_ =	shalt  }
0x84: {  	_ =	shalt  }
0x85: {  	_ =	shalt  }
0x86: {  	_ =	shalt  }
0x87: {  	_ =	shalt  }
.Lfunc_end0:
.L_simem_size_0:
called_computation_lowered:
.L_overlay_start_0:
0x88: {  	s2 =	sld [smem:$0x3FD9]  }
0x89: {  	s3 =	sld [smem:$0x3FFE];
	_ =	sdelay $0x1  }
0x8a: {  	s1 =	srdreg.scid  }
0x8b: {  	s0 =	sand.u32 $0x1, s1  }
0x8c: {  	s16 =	sshll.u32 s0, $0xA;
	s2 =	sadd.s32 s3, s2  }
0x8d: {  	s2 =	sadd.s32 s2, s16  }
0x8e: {  	[smem:$0x3FC6] =	sst s2  }
0x8f: {  	_ = 	snop  }
0x90: {  	(tm) =	ssettm $0x1  }
0x91: {  	s17 =	sld [smem:$0x3FFB];
	_ =	sdelay $0x3  }
0x92: {  	_ =	strace s17  }
0x93: {  	s2 =	sld [smem:$0x3FFC];
	_ =	sdelay $0x3  }
0x94: {  	_ =	strace s2  }
0x95: {  	s2 =	sld [smem:$0x3FFD];
	_ =	sdelay $0x3  }
0x96: {  	_ =	strace s2  }
0x97: {  	_ =	strace $0x8FFFFFFF  }
0x98: {  	s18 =	sld [smem:$0x3FDB];
	_ =	sdelay $0x1  }
0x99: {  	s19 =	simm.s32 $_scs_section_size  }
0x9a: {  	s4 =	simm.s32 $_size__tile_overlayer_lowered;
	s5 =	simm.s32 $_tile_overlayer_lowered  }
0x9b: {  	s22 =	simm.s32 $0x1BFF;
	s21 =	sshll.u32 s5, $0x1;
	s2 =	sadd.s32 s19, s18  }
0x9c: {  	s6 =	simm.s32 $0x0;
	s20 =	sshll.u32 s4, $0x1;
	s4 =	sadd.s32 s21, s2  }
0x9d: {  	[timem:s6], [sflag:s22] =	dma.local [hbm:s4], s20  }
0x9e: {  	_ =	swait.ge [sflag:s22], s20  }
0x9f: {  	s3 =	ssub.s32 $0x0, s20;
	[sflag:s22] =	ssyncset.done $0x0  }
0xa0: {  	[sflag:s22] =	ssyncadd.s32 s3;
	_ =	sdelay $0x1  }
0xa1: {  	s23 =	simm.s32 $0x1B8B  }
0xa2: {  	_ =	swait.ge [sflag:s23], $0x1  }
0xa3: {  	[sflag:s23] =	ssyncset.done $0x0  }
0xa4: {  	s25 =	simm.s32 $0x1B8E;
	s24 =	sld [smem:$0x3FFE];
	[sflag:s23] =	ssyncadd.s32 $0xFFFFFFFF  }
0xa5: {  	s26 =	simm.s32 $execute0_lowered;
	[smem:$0x3FD2] =	sst s25  }
0xa6: {  	s4 =	sshll.u32 s26, $0x1;
	_ =	strace $0x80000046;
	[dreg:$0x1] =	wrdreg $0xFFFFFFFF  }
0xa7: {  	s28 =	simm.s32 $_size_execute0_lowered;
	s2 =	sadd.s32 s2, s4;
	[dreg:$0x0] =	wrdreg $0x0  }
0xa8: {  	s4 =	sshll.u32 s28, $0x1;
	[dreg:$0x2] =	wrdreg s2  }
0xa9: {  	[dreg:$0x3] =	wrdreg s4  }
0xaa: {  	[dreg:$0x4] =	wrdreg $0xC0  }
0xab: {  	_ =	task [dreg:s6], $0x5FFFF  }
0xac: {  	[dreg:$0x1] =	wrdreg $0xFFFFFFFF  }
0xad: {  	[dreg:$0x0] =	wrdreg $0x60  }
0xae: {  	[dreg:$0x2] =	wrdreg s24  }
0xaf: {  	[dreg:$0x3] =	wrdreg $0x9  }
0xb0: {  	_ =	task.clear_ibuf [dreg:s6], $0x4FFFF;
	_ =	strace $0x90000046  }
0xb1: {  	s29 =	simm.s32 $0x9;
	_ =	strace $0x80000048  }
0xb2: {  	_ =	swait.ge [sflag:s29], $0x1  }
0xb3: {  	[sflag:s29] =	ssyncadd.s32 $0xFFFFFFFF  }
0xb4: {  	_ =	strace $0x90000048  }
0xb5: {  	_ =	sfence  }
0xb6: {  	s30 =	sld [smem:$0x0];
	_ =	sdelay $0x2  }
0xb7: {  	s31 =	sshll.u32 s1, $0xD;
	s1 =	sshrl.u32 s1, $0x2  }
0xb8: {  	s3 =	sand.u32 $0x4000, s31;
	s1 =	sadd.s32 s1, s30  }
0xb9: {  	s0 =	sor.u32 s3, s0;
	s1 =	sshll.u32 s1, $0x11  }
0xba: {  	s0 =	sor.u32 s1, s0  }
0xbb: {  	s0 =	sadd.s32 $0x8F2B, s0  }
0xbc: {  	[sflag:s0] =	ssyncadd.remote.s32 $0x1  }
0xbd: {  	_ =	sfence.sel $0xFFFF  }
0xbe: {  	[dreg:$0x0] =	wrdreg $0xFFFFFFFF;
	(pc) =	sbr.abs _section_cstart, $3  }
0xbf: {  	[dreg:$0x1] =	wrdreg $0xFFFFFFFF  }
0xc0: {  	_ =	task.clear_ibuf [dreg:s6], $0x2FFFF;
	_ =	strace $0x9FFFFFFF  }
0xc1: {  	(tm) =	ssettm $0x7FFFFFFF  }
tec
execute0_lowered:
.L_overlay_start_1:
0x0: {  	(tag) =	ssettag $0x1  }
0x1: {  	s5 =	rddreg [dreg:$0x0];
	s2 =	srdreg.scid  }
0x2: {  	s1 =	stileid.u32;
	s0 =	rddreg [dreg:$0x1];
	s12 =	simm.s32 $0x1200  }
0x3: {  	s13 =	simm.s32 $0x0;
	s4 =	sand.u32 $0x1, s2;
	s3 =	sor.u32 $0x70, s1  }
0x4: {  	s2 =	simm.s32 $0x0;
	s9 =	sshll.u32 s1, $0xA;
	s6 =	sshll.u32 s4, $0x9  }
0x5: {  	s7 =	sshll.u32 s3, $0xA;
	[smem:$0x7FF] =	sst s2;
	s8 =	smul.u32 $0xC3800, s3  }
0x6: {  	s3 =	sadd.s32 $0xA00, s5;
	s10 =	ssub.s32 $0x2, s4;
	s7 =	sor.u32 s6, s7  }
0x7: {  	_ =	strace $0x80000047;
	s9 =	sor.u32 s6, s9;
	s29 =	sshrl.u32 s10, $0x1  }
0x8: {  	s7 =	sshrl.u32 s7, $0x3;
	s4 =	sor.u32 s6, s8;
	s28 =	sshrl.u32 s9, $0x3  }
0x9: {  	s8 =	ssub.s32 s10, s29;
	s9 =	simm.s32 $0x1;
	s10 =	simm.s32 $0x400  }
0xa: {  	s7 =	sadd.s32 s7, s5;
	s30 =	sadd.s32 $0xC2000, s4;
	s11 =	sadd.s32 s28, s5  }
0xb: {  	s8 =	smax.u32 s8, $0x1;
	s31 =	sshrl.u32 s30, $0x3;
	s5 =	sadd.s32 $0xC38A00, s7  }
0xc: {  	v0 =	vlaneseq.u32;
	s7 =	sadd.s32 $0xC3CA00, s11;
	s11 =	simm.s32 $0x200;
	s6 =	sadd.s32 s3, s31  }
.LBB2_1:
0xd: {  	[tilespmem:s2], [sflag:$0x1] =	stream.linear.gather [hbm4b:s5+s2], $0x200, $0x38;
	[tilespmem:$0x1400] =	vst v63  }
0xe: {  	_ =	swait.ge [sflag:s9], $0x200  }
0xf: {  	[sflag:s9] =	ssyncset.done $0x0  }
0x10: {  	[sflag:s9] =	ssyncadd.s32 $0xFFFFFE00  }
0x11: {  	v4 =	vld [tilespmem:$0x0]  }
0x12: {  	v5 =	vimm.f32 $0.0e+00;
	v11 =	vimm.f32 $0.0e+00;
	v3 =	vld [tilespmem:$0x80]  }
0x13: {  	v6 =	vimm.f32 $0.0e+00;
	v7 =	vimm.f32 $0.0e+00;
	v8 =	vimm.f32 $0.0e+00;
	v2 =	vld [tilespmem:$0x100]  }
0x14: {  	s14 =	simm.s32 $0x0;
	v9 =	vimm.f32 $0.0e+00;
	v10 =	vimm.f32 $0.0e+00;
	v12 =	vimm.f32 $0.0e+00;
	s15 =	simm.s32 $0x0;
	v1 =	vld [tilespmem:$0x180]  }
.LBB2_2:
0x15: {  	s16 =	sshll.u32 s15, $0xD  }
0x16: {  	s16 =	sadd.s32 s4, s16  }
0x17: {  	s16 =	sshrl.u32 s16, $0x3  }
0x18: {  	s16 =	sadd.s32 s3, s16  }
0x19: {  	[tilespmem:s11], [sflag:$0x1] =	stream.strided.gather [hbm4b:s16+s11], $0x1000, s10, s11, $0x38;
	[tilespmem:$0x1400] =	vst v63  }
0x1a: {  	s30 =	simm.s32 $0x0;
	_ =	swait.ge [sflag:s9], $0x1000  }
0x1b: {  	s17 =	sand.u32 $0x70, s30;
	s16 =	sand.u32 $0xE00, s30;
	[sflag:s9] =	ssyncset.done $0x0  }
0x1c: {  	s18 =	sor.u32 s17, s16;
	[sflag:s9] =	ssyncadd.s32 $0xFFFFF000  }
0x1d: {  	v17 =	vld [tilespmem:s18+$0x380]  }
0x1e: {  	v14 =	vld [tilespmem:s18+$0x200]  }
0x1f: {  	s31 =	sadd.s32 $0x0, s14;
	v15 =	vld [tilespmem:s18+$0x280]  }
0x20: {  	v16 =	vor.u32 s31, v0;
	v13 =	vld [tilespmem:s18+$0x300]  }
0x21: {  	vm2 =	veq.s32 v16, v4;
	vm0 =	veq.s32 v16, v3;
	vm3 =	veq.s32 v16, v1;
	s16 =	simm.s32 $0x10;
	s17 =	simm.s32 $0x40  }
0x22: {  	vm1 =	veq.s32 v16, v2;
	s19 =	sand.u32 $0x70, s16;
	s20 =	sand.u32 $0xE00, s17;
	s18 =	simm.s32 $0x20;
	v16 =	vmul.f32 v17, v17;
	v17 =	vnsel vm3, $0x0, v17  }
.LBB2_3:
0x23: {  	p0 =	sne.s32 s18, $0x3F0;
	s19 =	sor.u32 s19, s20;
	v18 =	vmul.f32 v14, v14;
	v19 =	vnsel vm2, $0x0, v14;
	v5 =	vadd.f32 v17, v5  }
0x24: {  	v17 =	vld [tilespmem:s19+$0x380];
	v20 =	vmul.f32 v15, v15;
	v21 =	vnsel vm0, $0x0, v15;
	v11 =	vadd.f32 v16, v11  }
.Ltmp0:
0x25: {  	s20 =	sadd.s32 s16, s14;
	s16 =	smov.u32 s18;
	v14 =	vld [tilespmem:s19+$0x200];
	v12 =	vadd.f32 v18, v12;
	v16 =	vmul.f32 v13, v13;
	v18 =	vnsel vm1, $0x0, v13;
	(pc) =	sbr.rel @p0 .LBB2_3-.Ltmp0, $4  }
0x26: {  	v22 =	vor.u32 s20, v0;
	v10 =	vadd.f32 v19, v10;
	v15 =	vld [tilespmem:s19+$0x280];
	v9 =	vadd.f32 v20, v9  }
0x27: {  	vm2 =	veq.s32 v22, v4;
	v8 =	vadd.f32 v21, v8;
	v13 =	vld [tilespmem:s19+$0x300];
	v7 =	vadd.f32 v16, v7  }
0x28: {  	s17 =	sadd.s32 $0x40, s17;
	vm0 =	veq.s32 v22, v3;
	vm3 =	veq.s32 v22, v1;
	v6 =	vadd.f32 v18, v6  }
0x29: {  	s18 =	sadd.s32 $0x10, s18;
	s20 =	sand.u32 $0xE00, s17;
	vm1 =	veq.s32 v22, v2;
	s19 =	sand.u32 $0x70, s16;
	v16 =	vmul.f32 v17, v17;
	v17 =	vnsel vm3, $0x0, v17  }
0x2a: {  	s17 =	sor.u32 s19, s20  }
0x2b: {  	v18 =	vmul.f32 v14, v14;
	v14 =	vnsel vm2, $0x0, v14;
	v5 =	vadd.f32 v17, v5;
	v59 =	vld [tilespmem:s17+$0x380]  }
0x2c: {  	s16 =	sadd.s32 s16, s14;
	v19 =	vmul.f32 v15, v15;
	v15 =	vnsel vm0, $0x0, v15;
	v11 =	vadd.f32 v16, v11;
	v60 =	vld [tilespmem:s17+$0x200]  }
0x2d: {  	v20 =	vor.u32 s16, v0;
	v21 =	vld [tilespmem:s17+$0x280];
	v10 =	vadd.f32 v14, v10;
	v12 =	vadd.f32 v18, v12  }
0x2e: {  	v61 =	vmul.f32 v13, v13;
	v13 =	vnsel vm1, $0x0, v13;
	vm13 =	veq.s32 v20, v4  }
0x2f: {  	v14 =	vld [tilespmem:s17+$0x300];
	v8 =	vadd.f32 v15, v8;
	vm14 =	veq.s32 v20, v3;
	vm15 =	veq.s32 v20, v1  }
0x30: {  	s15 =	sadd.s32 $0x1, s15;
	vm3 =	veq.s32 v20, v2;
	v9 =	vadd.f32 v19, v9;
	v6 =	vadd.f32 v13, v6  }
0x31: {  	p0 =	sne.s32 s15, $0x61;
	v7 =	vadd.f32 v61, v7;
	v13 =	vmul.f32 v59, v59;
	v15 =	vnsel vm15, $0x0, v59  }
.Ltmp1:
0x32: {  	v62 =	vmul.f32 v60, v60;
	v16 =	vnsel vm13, $0x0, v60;
	v63 =	vnsel vm14, $0x0, v21;
	(pc) =	sbr.rel @p0 .LBB2_2-.Ltmp1, $4  }
0x33: {  	v5 =	vadd.f32 v15, v5;
	v15 =	vmul.f32 v21, v21;
	v10 =	vadd.f32 v16, v10  }
0x34: {  	v8 =	vadd.f32 v63, v8;
	v11 =	vadd.f32 v13, v11;
	v13 =	vmul.f32 v14, v14  }
0x35: {  	v12 =	vadd.f32 v62, v12;
	v14 =	vnsel vm3, $0x0, v14;
	v9 =	vadd.f32 v15, v9  }
0x36: {  	s14 =	sadd.s32 $0x400, s14;
	v6 =	vadd.f32 v14, v6;
	v7 =	vadd.f32 v13, v7  }
0x37: {  	[tilespmem:s11], [sflag:$0x1] =	stream.strided.gather [hbm4b:s6+s11], $0xA00, s10, s11, $0x38;
	[tilespmem:$0x1400] =	vst v63  }
0x38: {  	s14 =	simm.s32 $0x0;
	_ =	swait.ge [sflag:s9], $0xA00  }
0x39: {  	s15 =	sand.u32 $0x70, s14;
	s14 =	sand.u32 $0xE00, s14;
	[sflag:s9] =	ssyncset.done $0x0  }
0x3a: {  	s16 =	sor.u32 s15, s14;
	[sflag:s9] =	ssyncadd.s32 $0xFFFFF600  }
0x3b: {  	v16 =	vld [tilespmem:s16+$0x380]  }
0x3c: {  	v14 =	vld [tilespmem:s16+$0x200]  }
0x3d: {  	s31 =	simm.s32 $0x18400;
	v15 =	vld [tilespmem:s16+$0x280]  }
0x3e: {  	v17 =	vor.u32 s31, v0;
	v13 =	vld [tilespmem:s16+$0x300]  }
0x3f: {  	s14 =	simm.s32 $0x10;
	vm2 =	veq.s32 v17, v4;
	vm1 =	veq.s32 v17, v3;
	vm3 =	veq.s32 v17, v1;
	s15 =	simm.s32 $0x40  }
0x40: {  	vm0 =	veq.s32 v17, v2;
	s17 =	sand.u32 $0x70, s14;
	s18 =	sand.u32 $0xE00, s15;
	s16 =	simm.s32 $0x20;
	v17 =	vmul.f32 v16, v16;
	v16 =	vnsel vm3, $0x0, v16  }
.LBB2_6:
0x41: {  	p0 =	sne.s32 s16, $0x270;
	s17 =	sor.u32 s17, s18;
	v18 =	vmul.f32 v14, v14;
	v19 =	vnsel vm2, $0x0, v14;
	v5 =	vadd.f32 v16, v5  }
0x42: {  	v16 =	vld [tilespmem:s17+$0x380];
	v20 =	vmul.f32 v15, v15;
	v21 =	vnsel vm1, $0x0, v15;
	v11 =	vadd.f32 v17, v11  }
.Ltmp2:
0x43: {  	s18 =	sadd.s32 $0x18400, s14;
	s14 =	smov.u32 s16;
	v14 =	vld [tilespmem:s17+$0x200];
	v12 =	vadd.f32 v18, v12;
	v17 =	vmul.f32 v13, v13;
	v18 =	vnsel vm0, $0x0, v13;
	(pc) =	sbr.rel @p0 .LBB2_6-.Ltmp2, $4  }
0x44: {  	v22 =	vor.u32 s18, v0;
	v10 =	vadd.f32 v19, v10;
	v15 =	vld [tilespmem:s17+$0x280];
	v9 =	vadd.f32 v20, v9  }
0x45: {  	vm2 =	veq.s32 v22, v4;
	v8 =	vadd.f32 v21, v8;
	v13 =	vld [tilespmem:s17+$0x300];
	v7 =	vadd.f32 v17, v7  }
0x46: {  	s15 =	sadd.s32 $0x40, s15;
	vm1 =	veq.s32 v22, v3;
	vm3 =	veq.s32 v22, v1;
	v6 =	vadd.f32 v18, v6  }
0x47: {  	s16 =	sadd.s32 $0x10, s16;
	s18 =	sand.u32 $0xE00, s15;
	vm0 =	veq.s32 v22, v2;
	s17 =	sand.u32 $0x70, s14;
	v17 =	vmul.f32 v16, v16;
	v16 =	vnsel vm3, $0x0, v16  }
0x48: {  	s15 =	sor.u32 s17, s18  }
0x49: {  	v19 =	vmul.f32 v14, v14;
	v18 =	vld [tilespmem:s15+$0x200]  }
0x4a: {  	v52 =	vnsel vm2, $0x0, v14;
	s14 =	sadd.s32 $0x18400, s14;
	v5 =	vadd.f32 v16, v5;
	v20 =	vld [tilespmem:s15+$0x280];
	v53 =	vnsel vm1, $0x0, v15  }
0x4b: {  	v54 =	vmul.f32 v15, v15;
	v55 =	vor.u32 s14, v0;
	v10 =	vadd.f32 v52, v10;
	v56 =	vld [tilespmem:s15+$0x300]  }
0x4c: {  	v12 =	vadd.f32 v19, v12;
	v8 =	vadd.f32 v53, v8;
	v21 =	vnsel vm0, $0x0, v13  }
0x4d: {  	v59 =	vmul.f32 v13, v13;
	vm12 =	veq.s32 v55, v4;
	vm13 =	veq.s32 v55, v3  }
0x4e: {  	vm14 =	veq.s32 v55, v2;
	vm15 =	veq.s32 v55, v1;
	v4 =	vnsel vm12, $0x0, v18  }
0x4f: {  	v58 =	vld [tilespmem:s15+$0x380];
	v6 =	vadd.f32 v21, v6;
	v61 =	vnsel vm13, $0x0, v20;
	v3 =	vadd.f32 v4, v10  }
0x50: {  	v57 =	vmul.f32 v18, v18;
	v63 =	vnsel vm14, $0x0, v56;
	v2 =	vadd.f32 v61, v8  }
0x51: {  	v9 =	vadd.f32 v54, v9;
	v60 =	vmul.f32 v20, v20;
	v1 =	vadd.f32 v63, v6;
	[tilespmem:$0x1210] =	vst v3  }
0x52: {  	v7 =	vadd.f32 v59, v7;
	v62 =	vmul.f32 v56, v56;
	v12 =	vadd.f32 v57, v12;
	[tilespmem:$0x1290] =	vst v2  }
0x53: {  	v11 =	vadd.f32 v17, v11;
	v9 =	vadd.f32 v60, v9;
	[tilespmem:$0x1310] =	vst v1  }
0x54: {  	v7 =	vadd.f32 v62, v7;
	v3 =	vmul.f32 v58, v58;
	v2 =	vnsel vm15, $0x0, v58;
	[tilespmem:$0x1200] =	vst v12  }
0x55: {  	[tilespmem:$0x1280] =	vst v9;
	v2 =	vadd.f32 v2, v5  }
0x56: {  	s13 =	sadd.s32 $0x1, s13;
	[tilespmem:$0x1300] =	vst v7;
	v3 =	vadd.f32 v3, v11  }
0x57: {  	p0 =	sne.s32 s13, s8;
	[tilespmem:$0x1390] =	vst v2  }
.Ltmp3:
0x58: {  	[tilespmem:$0x1380] =	vst v3;
	(pc) =	sbr.rel @p0 .LBB2_1-.Ltmp3, $4  }
0x59: {  	[hbm4b:s7+s2] =	stream.linear.scatter [tilespmem:s12], [sflag:$0x1], $0x200, $0x38;
	[tilespmem:$0x1400] =	vst v63  }
0x5a: {  	_ =	swait.ge [sflag:s9], $0x200  }
0x5b: {  	[sflag:s9] =	ssyncset.done $0x0  }
0x5c: {  	[sflag:s9] =	ssyncadd.s32 $0xFFFFFE00  }
0x5d: {  	_ =	sfence.sel $0x180000  }
0x5e: {  	[bflag:$0x0] =	sbarrier.arrive $0xFFFF  }
0x5f: {  	p0 =	sne.s32 s1, $0x0;
	_ =	strace $0x90000047  }
0x60: {  	s0 =	sadd.s32 @!p0 $0x100000, s0;
	[bflag:$0x2] =	sbarrier.arrive $0xFFFF  }
0x61: {  	[sflag:s0] =	ssyncadd.tile.s32 @!p0 $0x1;
	_ =	shalt  }
.Lfunc_end2:
_tile_overlayer_lowered:
.L_overlay_start_2:
0x62: {  	(tag) =	ssettag $0x2  }
0x63: {  	s0 =	rddreg [dreg:$0x0];
	s2 =	stileid.u32  }
0x64: {  	s1 =	rddreg [dreg:$0x1];
	p0 =	sne.s32 s2, $0x0  }
0x65: {  	s3 =	rddreg [dreg:$0x2];
	[bflag:$0x3] =	sbarrier.arrive $0xFFFF;
	s2 =	simm.s32 @!p0 $0x1C01  }
0x66: {  	[timem:s3], [sflag:s2] =	dma.local @!p0 [hbm:s0], s1  }
0x67: {  	s0 =	simm.s32 @!p0 $0x1  }
0x68: {  	_ =	swait.ge @!p0 [sflag:s0], s1  }
0x69: {  	s1 =	ssub.s32 @!p0 $0x0, s1;
	[sflag:s0] =	ssyncset.done @!p0 $0x0  }
0x6a: {  	[sflag:s0] =	ssyncadd.s32 @!p0 s1  }
0x6b: {  	[bflag:$0x3] =	sbarrier.arrive $0xFFFF  }
0x6c: {  	_ =	shalt  }

</sc_bundles>
